<compile_context>
chip_gen: v7x
topology: tpu7x:2x2x1
jax: 0.10.2.dev20260603
libtpu: 0.0.44.dev20260713+nightly
codegen_flags: <defaults>
</compile_context>

<pallas_src>
import functools

import jax
from jax import lax
import jax.numpy as jnp
import numpy as np
from jax.experimental import pallas as pl
from jax.experimental.pallas import tpu as pltpu
from jax.experimental.pallas import tpu_sc as plsc

VOCAB = 100000
D = 32
DP = 128
B = 1024
CTX = 20
NC, NS = 2, 16
NW = NC * NS
TV = 2048

_PSEL = np.zeros((DP, D), dtype=np.float32)
_PSEL[:D, :D] = np.eye(D, dtype=np.float32)


def _sc_gather(emb128, idx):
    n = idx.shape[0]
    per_w = n // NW
    mesh = plsc.VectorSubcoreMesh(core_axis_name="c", subcore_axis_name="s")

    @functools.partial(
        pl.kernel, mesh=mesh,
        out_type=jax.ShapeDtypeStruct((n, DP), emb128.dtype),
        scratch_types=[
            pltpu.VMEM((per_w,), jnp.int32),
            pltpu.VMEM((per_w, DP), jnp.float32),
            pltpu.SemaphoreType.DMA,
        ],
    )
    def gather_kernel(emb_hbm, idx_hbm, out_hbm, idx_v, rows_v, sem):
        wid = lax.axis_index("s") * NC + lax.axis_index("c")
        base = wid * per_w
        pltpu.sync_copy(idx_hbm.at[pl.ds(base, per_w)], idx_v)
        pltpu.async_copy(emb_hbm.at[idx_v], rows_v, sem).wait()
        pltpu.sync_copy(rows_v, out_hbm.at[pl.ds(base, per_w)])

    return gather_kernel(emb128, idx)


TV2 = 4096

_EYE = np.eye(D, dtype=np.float32)


def _tpad_kernel(et_ref, i_ref, out_ref):
    out_ref[:, :D] = jax.lax.dot_general(
        et_ref[...], i_ref[...], (((0,), (0,)), ((), ())),
        preferred_element_type=jnp.float32,
        precision=jax.lax.Precision.HIGHEST)
    out_ref[:, D:] = jnp.zeros((TV2, DP - D), jnp.float32)


def _transpose_pad(embT):
    nv = pl.cdiv(VOCAB, TV2)
    return pl.pallas_call(
        _tpad_kernel,
        grid=(nv,),
        in_specs=[
            pl.BlockSpec((D, TV2), lambda i: (0, i)),
            pl.BlockSpec((D, D), lambda i: (0, 0)),
        ],
        out_specs=pl.BlockSpec((TV2, DP), lambda i: (i, 0)),
        out_shape=jax.ShapeDtypeStruct((VOCAB, DP), jnp.float32),
    )(embT, jnp.asarray(_EYE))


def _proj_kernel(g_ref, p_ref, w_ref, b_ref, out_ref, pooled_ref):
    @pl.when(pl.program_id(0) == 0)
    def _():
        acc = g_ref[0]
        for c in range(1, CTX):
            acc = acc + g_ref[c]
        pooled_ref[:, :D] = (jax.lax.dot_general(
            acc, p_ref[...], (((1,), (0,)), ((), ())),
            preferred_element_type=jnp.float32,
            precision=jax.lax.Precision.HIGHEST) / CTX).astype(jnp.bfloat16)
        pooled_ref[:, D:] = jnp.ones((B, 1), jnp.bfloat16)
    w_aug = jnp.concatenate([w_ref[...], b_ref[...]], axis=0).astype(jnp.bfloat16)
    out_ref[...] = jax.lax.dot_general(
        w_aug, pooled_ref[...], (((0,), (1,)), ((), ())),
        preferred_element_type=jnp.float32)


def kernel(inputs, emb, W, b):
    idx = inputs.T.reshape(B * CTX).astype(jnp.int32)
    emb128 = _transpose_pad(emb.T)
    gathered = _sc_gather(emb128, idx)
    g3 = gathered.reshape(CTX, B, DP)
    psel = jnp.asarray(_PSEL)
    wt = W.T
    b2d = b.reshape(1, VOCAB)
    nv = pl.cdiv(VOCAB, TV)
    out_t = pl.pallas_call(
        _proj_kernel,
        grid=(nv,),
        in_specs=[
            pl.BlockSpec((CTX, B, DP), lambda i: (0, 0, 0)),
            pl.BlockSpec((DP, D), lambda i: (0, 0)),
            pl.BlockSpec((D, TV), lambda i: (0, i)),
            pl.BlockSpec((1, TV), lambda i: (0, i)),
        ],
        out_specs=pl.BlockSpec((TV, B), lambda i: (i, 0)),
        out_shape=jax.ShapeDtypeStruct((VOCAB, B), jnp.float32),
        scratch_shapes=[pltpu.VMEM((B, D + 1), jnp.bfloat16)],
    )(g3, psel, wt, b2d)
    return out_t.T

# --- scband reference (transcript-rebuilt; emitter-appended) ---
"""Pipeline reference for scband-cbowmodel-31756988186812 (READ-ONLY COPY).

The authoritative reference and input builder live on the scoring server;
editing this copy changes nothing except your own understanding.
"""

import jax, jax.numpy as jnp
import numpy as np

VOCAB = 100000
EMBED_DIM = 32
BATCH = 1024
CTX = 20

def setup_inputs(seed: int = 0) -> dict:
    key = jax.random.key(seed)
    k1, k2, k3 = jax.random.split(key, 3)
    inputs = jax.random.randint(k1, (BATCH, CTX), 0, VOCAB, dtype=jnp.int64)
    emb = jax.random.normal(k2, (VOCAB, EMBED_DIM), dtype=jnp.float32) * 0.02
    W = jax.random.normal(k3, (VOCAB, EMBED_DIM), dtype=jnp.float32) * 0.02
    b = jnp.zeros((VOCAB,), dtype=jnp.float32)
    return {"inputs": inputs, "emb": emb, "W": W, "b": b}

def reference(inputs, emb, W, b):
    # nn.Embedding lookup: gather rows of the table
    embeds = jnp.take(emb, inputs, axis=0)            # [B, CTX, D]
    # mean over context window (dim=1)
    out = jnp.mean(embeds, axis=1)                    # [B, D]
    # dropout(p=0.3) is identity at inference time
    # nn.Linear(embedding_dim, vocab_size): y = x @ W.T + b
    logits = out @ W.T + b                            # [B, V]
    return logits

if __name__ == "__main__":
    import jax
    _d = setup_inputs()
    print(jax.jit(kernel)(*tuple(_d.values())))

</pallas_src>

<mosaic_0001>
#map = affine_map<(d0, d1) -> (0, 0)>
#map1 = affine_map<(d0, d1) -> (0)>
module attributes {stable_mosaic.version = 14 : i64} {
  func.func @gather_kernel(%arg0: i32, %arg1: i32, %arg2: memref<100000x128xf32, #tpu.memory_space<hbm>>, %arg3: memref<20480xi32, #tpu.memory_space<hbm>>, %arg4: memref<20480x128xf32, #tpu.memory_space<hbm>>, %arg5: memref<640xi32, #tpu.memory_space<vmem>>, %arg6: memref<640x128xf32, #tpu.memory_space<vmem>>, %arg7: memref<!tpu.dma_semaphore, #tpu.memory_space<semaphore_mem>>) attributes {dimension_semantics = [#tpu.dimension_semantics<core_parallel>, #tpu.dimension_semantics<subcore_parallel>], iteration_bounds = array<i64: 2, 16>, scalar_prefetch = 0 : i64, scratch_operands = 3 : i64, tpu.core_type = #tpu.core_type<sc_vector_subcore>, window_params = [{transform_indices = #map}, {transform_indices = #map1}, {transform_indices = #map}]} {
    %mul3A = arith.constant 2 : i32
    %mul3A_0 = arith.muli %arg1, %mul3A : i32
    %add3A = arith.addi %mul3A_0, %arg0 : i32
    %mul3A_1 = arith.constant 640 : i32
    %mul3A_2 = arith.muli %add3A, %mul3A_1 : i32
    "tpu.region"() ({
      %run_scoped3A = tpu.sem_alloc : memref<!tpu.dma_semaphore, #tpu.memory_space<semaphore_mem>>
      %dma_start3A_7 = tpu.memref_slice %arg3[%mul3A_2] : memref<20480xi32, #tpu.memory_space<hbm>> -> memref<640xi32, #tpu.memory_space<hbm>>
      %dma_start3A_8 = tpu.memref_slice %arg3[%mul3A_2] : memref<20480xi32, #tpu.memory_space<hbm>> -> memref<640xi32, #tpu.memory_space<hbm>>
      tpu.enqueue_dma source(%dma_start3A_8 : memref<640xi32, #tpu.memory_space<hbm>>) target(%arg5 : memref<640xi32, #tpu.memory_space<vmem>>) target_semaphore(%run_scoped3A : memref<!tpu.dma_semaphore, #tpu.memory_space<semaphore_mem>>)
      %dma_wait3A_9 = tpu.memref_slice %arg3[%mul3A_2] : memref<20480xi32, #tpu.memory_space<hbm>> -> memref<640xi32, #tpu.memory_space<hbm>>
      %dma_wait3A_10 = tpu.memref_slice %arg3[%mul3A_2] : memref<20480xi32, #tpu.memory_space<hbm>> -> memref<640xi32, #tpu.memory_space<hbm>>
      tpu.wait_dma2 semaphore(%run_scoped3A : memref<!tpu.dma_semaphore, #tpu.memory_space<semaphore_mem>>) src(%dma_wait3A_10 : memref<640xi32, #tpu.memory_space<hbm>>) dst(%arg5 : memref<640xi32, #tpu.memory_space<vmem>>)
      tpu.yield
    }) : () -> ()
    %dma_start3A = arith.constant 0 : i32
    %dma_start3A_3 = arith.constant 0 : i32
    %dma_start3A_4 = tpu.memref_slice %arg2[%dma_start3A, %dma_start3A_3] : memref<100000x128xf32, #tpu.memory_space<hbm>> -> memref<100000x128xf32, #tpu.memory_space<hbm>>
    tpu.enqueue_indirect_dma source(%dma_start3A_4 : memref<100000x128xf32, #tpu.memory_space<hbm>>) target(%arg6 : memref<640x128xf32, #tpu.memory_space<vmem>>) offsets(%arg5 : memref<640xi32, #tpu.memory_space<vmem>>) semaphore(%arg7 : memref<!tpu.dma_semaphore, #tpu.memory_space<semaphore_mem>>)
    %dma_wait3A = arith.constant 0 : i32
    %dma_wait3A_5 = arith.constant 0 : i32
    %dma_wait3A_6 = tpu.memref_slice %arg2[%dma_wait3A, %dma_wait3A_5] : memref<100000x128xf32, #tpu.memory_space<hbm>> -> memref<100000x128xf32, #tpu.memory_space<hbm>>
    tpu.wait_indirect_dma semaphore(%arg7 : memref<!tpu.dma_semaphore, #tpu.memory_space<semaphore_mem>>) src(%dma_wait3A_6 : memref<100000x128xf32, #tpu.memory_space<hbm>>) dst(%arg6 : memref<640x128xf32, #tpu.memory_space<vmem>>)
    "tpu.region"() ({
      %run_scoped3A = tpu.sem_alloc : memref<!tpu.dma_semaphore, #tpu.memory_space<semaphore_mem>>
      %dma_start3A_7 = arith.constant 0 : i32
      %dma_start3A_8 = tpu.memref_slice %arg4[%mul3A_2, %dma_start3A_7] : memref<20480x128xf32, #tpu.memory_space<hbm>> -> memref<640x128xf32, #tpu.memory_space<hbm>>
      %dma_start3A_9 = arith.constant 0 : i32
      %dma_start3A_10 = tpu.memref_slice %arg4[%mul3A_2, %dma_start3A_9] : memref<20480x128xf32, #tpu.memory_space<hbm>> -> memref<640x128xf32, #tpu.memory_space<hbm>>
      tpu.enqueue_dma source(%arg6 : memref<640x128xf32, #tpu.memory_space<vmem>>) target(%dma_start3A_10 : memref<640x128xf32, #tpu.memory_space<hbm>>) target_semaphore(%run_scoped3A : memref<!tpu.dma_semaphore, #tpu.memory_space<semaphore_mem>>)
      %dma_wait3A_11 = arith.constant 0 : i32
      %dma_wait3A_12 = tpu.memref_slice %arg4[%mul3A_2, %dma_wait3A_11] : memref<20480x128xf32, #tpu.memory_space<hbm>> -> memref<640x128xf32, #tpu.memory_space<hbm>>
      %dma_wait3A_13 = arith.constant 0 : i32
      %dma_wait3A_14 = tpu.memref_slice %arg4[%mul3A_2, %dma_wait3A_13] : memref<20480x128xf32, #tpu.memory_space<hbm>> -> memref<640x128xf32, #tpu.memory_space<hbm>>
      tpu.wait_dma2 semaphore(%run_scoped3A : memref<!tpu.dma_semaphore, #tpu.memory_space<semaphore_mem>>) src(%arg6 : memref<640x128xf32, #tpu.memory_space<vmem>>) dst(%dma_wait3A_14 : memref<640x128xf32, #tpu.memory_space<hbm>>)
      tpu.yield
    }) : () -> ()
    return
  }
}

module attributes {stable_mosaic.version = 14 : i64} {
  func.func @_tpad_kernel(%arg0: i32, %arg1: memref<32x4096xf32, #tpu.memory_space<vmem>>, %arg2: memref<32x32xf32, #tpu.memory_space<vmem>>, %arg3: memref<4096x128xf32, #tpu.memory_space<vmem>>) attributes {dimension_semantics = [#tpu.dimension_semantics<arbitrary>], iteration_bounds = array<i64: 25>, scalar_prefetch = 0 : i64, scratch_operands = 0 : i64, tpu.core_type = #tpu.core_type<tc>, window_params = [{transform_indices = @transform_0, window_bounds = array<i64: 32, 4096>}, {pipeline_mode = #tpu.pipeline_mode<synchronous>, transform_indices = @transform_1, window_bounds = array<i64: 32, 32>}, {transform_indices = @transform_2, window_bounds = array<i64: 4096, 128>}]} {
    %get3A = arith.constant 0 : index
    %get3A_0 = arith.constant 0 : index
    %get3A_1 = vector.load %arg1[%get3A, %get3A_0] : memref<32x4096xf32, #tpu.memory_space<vmem>>, vector<32x4096xf32>
    %get3A_2 = arith.constant 0 : index
    %get3A_3 = arith.constant 0 : index
    %get3A_4 = vector.load %arg2[%get3A_2, %get3A_3] : memref<32x32xf32, #tpu.memory_space<vmem>>, vector<32x32xf32>
    %dot_general3A = arith.constant dense<0.000000e+00> : vector<4096x32xf32>
    %dot_general3A_5 = tpu.matmul %get3A_1, %get3A_4, %dot_general3A {dimension_numbers = #tpu.dot_dimension_numbers<[0], [0], [1], [1], [0, 1, 1, 1], [], []>, precision = #tpu.contract_precision<fp32>, transpose_lhs_hint = false} : vector<32x4096xf32>, vector<32x32xf32>, vector<4096x32xf32> -> vector<4096x32xf32>
    %swap3A = arith.constant 0 : index
    %swap3A_6 = arith.constant 0 : index
    %swap3A_7 = vector.load %arg3[%swap3A, %swap3A_6] : memref<4096x128xf32, #tpu.memory_space<vmem>>, vector<4096x32xf32>
    tpu.vector_store %arg3[%swap3A, %swap3A_6], %dot_general3A_5 {strides = array<i32>} : memref<4096x128xf32, #tpu.memory_space<vmem>>, vector<4096x32xf32>,
    %broadcast_in_dim3A = arith.constant 0.000000e+00 : f32
    %broadcast_in_dim3A_8 = vector.broadcast %broadcast_in_dim3A : f32 to vector<4096x96xf32>
    %swap3A_9 = arith.constant 0 : index
    %swap3A_10 = arith.constant 32 : index
    %swap3A_11 = vector.load %arg3[%swap3A_9, %swap3A_10] : memref<4096x128xf32, #tpu.memory_space<vmem>>, vector<4096x96xf32>
    tpu.vector_store %arg3[%swap3A_9, %swap3A_10], %broadcast_in_dim3A_8 {strides = array<i32>} : memref<4096x128xf32, #tpu.memory_space<vmem>>, vector<4096x96xf32>,
    return
  }
  func.func @transform_0(%arg0: i32) -> (i32, i32) {
    %c0_i32 = arith.constant 0 : i32
    %c0_i32_0 = arith.constant 0 : i32
    return %c0_i32, %arg0 : i32, i32
  }
  func.func @transform_1(%arg0: i32) -> (i32, i32) {
    %c0_i32 = arith.constant 0 : i32
    %c0_i32_0 = arith.constant 0 : i32
    %c0_i32_1 = arith.constant 0 : i32
    return %c0_i32, %c0_i32_0 : i32, i32
  }
  func.func @transform_2(%arg0: i32) -> (i32, i32) {
    %c0_i32 = arith.constant 0 : i32
    %c0_i32_0 = arith.constant 0 : i32
    return %arg0, %c0_i32 : i32, i32
  }
}

module attributes {stable_mosaic.version = 14 : i64} {
  func.func @_proj_kernel(%arg0: i32, %arg1: memref<20x1024x128xf32, #tpu.memory_space<vmem>>, %arg2: memref<128x32xf32, #tpu.memory_space<vmem>>, %arg3: memref<32x2048xf32, #tpu.memory_space<vmem>>, %arg4: memref<1x2048xf32, #tpu.memory_space<vmem>>, %arg5: memref<2048x1024xf32, #tpu.memory_space<vmem>>, %arg6: memref<1024x33xbf16, #tpu.memory_space<vmem>>) attributes {dimension_semantics = [#tpu.dimension_semantics<arbitrary>], iteration_bounds = array<i64: 49>, scalar_prefetch = 0 : i64, scratch_operands = 1 : i64, tpu.core_type = #tpu.core_type<tc>, window_params = [{pipeline_mode = #tpu.pipeline_mode<synchronous>, transform_indices = @transform_0, window_bounds = array<i64: 20, 1024, 128>}, {pipeline_mode = #tpu.pipeline_mode<synchronous>, transform_indices = @transform_1, window_bounds = array<i64: 128, 32>}, {transform_indices = @transform_2, window_bounds = array<i64: 32, 2048>}, {transform_indices = @transform_3, window_bounds = array<i64: 1, 2048>}, {transform_indices = @transform_4, window_bounds = array<i64: 2048, 1024>}]} {
    %eq3A = arith.constant 0 : i32
    %eq3A_0 = arith.cmpi eq, %arg0, %eq3A : i32
    %convert_element_type3A = arith.extui %eq3A_0 : i1 to i32
    %cond3A = arith.constant 0 : i32
    %cond3A_1 = arith.cmpi ne, %convert_element_type3A, %cond3A : i32
    scf.if %cond3A_1 {
      %get3A_14 = arith.constant 0 : index
      %get3A_15 = arith.constant 0 : index
      %get3A_16 = arith.constant 0 : index
      %get3A_17 = vector.load %arg1[%get3A_14, %get3A_15, %get3A_16] : memref<20x1024x128xf32, #tpu.memory_space<vmem>>, vector<1x1024x128xf32>
      %get3A_18 = vector.shape_cast %get3A_17 : vector<1x1024x128xf32> to vector<1024x128xf32>
      %get3A_19 = arith.constant 1 : index
      %get3A_20 = arith.constant 0 : index
      %get3A_21 = arith.constant 0 : index
      %get3A_22 = vector.load %arg1[%get3A_19, %get3A_20, %get3A_21] : memref<20x1024x128xf32, #tpu.memory_space<vmem>>, vector<1x1024x128xf32>
      %get3A_23 = vector.shape_cast %get3A_22 : vector<1x1024x128xf32> to vector<1024x128xf32>
      %add3A = arith.addf %get3A_18, %get3A_23 : vector<1024x128xf32>
      %get3A_24 = arith.constant 2 : index
      %get3A_25 = arith.constant 0 : index
      %get3A_26 = arith.constant 0 : index
      %get3A_27 = vector.load %arg1[%get3A_24, %get3A_25, %get3A_26] : memref<20x1024x128xf32, #tpu.memory_space<vmem>>, vector<1x1024x128xf32>
      %get3A_28 = vector.shape_cast %get3A_27 : vector<1x1024x128xf32> to vector<1024x128xf32>
      %add3A_29 = arith.addf %add3A, %get3A_28 : vector<1024x128xf32>
      %get3A_30 = arith.constant 3 : index
      %get3A_31 = arith.constant 0 : index
      %get3A_32 = arith.constant 0 : index
      %get3A_33 = vector.load %arg1[%get3A_30, %get3A_31, %get3A_32] : memref<20x1024x128xf32, #tpu.memory_space<vmem>>, vector<1x1024x128xf32>
      %get3A_34 = vector.shape_cast %get3A_33 : vector<1x1024x128xf32> to vector<1024x128xf32>
      %add3A_35 = arith.addf %add3A_29, %get3A_34 : vector<1024x128xf32>
      %get3A_36 = arith.constant 4 : index
      %get3A_37 = arith.constant 0 : index
      %get3A_38 = arith.constant 0 : index
      %get3A_39 = vector.load %arg1[%get3A_36, %get3A_37, %get3A_38] : memref<20x1024x128xf32, #tpu.memory_space<vmem>>, vector<1x1024x128xf32>
      %get3A_40 = vector.shape_cast %get3A_39 : vector<1x1024x128xf32> to vector<1024x128xf32>
      %add3A_41 = arith.addf %add3A_35, %get3A_40 : vector<1024x128xf32>
      %get3A_42 = arith.constant 5 : index
      %get3A_43 = arith.constant 0 : index
      %get3A_44 = arith.constant 0 : index
      %get3A_45 = vector.load %arg1[%get3A_42, %get3A_43, %get3A_44] : memref<20x1024x128xf32, #tpu.memory_space<vmem>>, vector<1x1024x128xf32>
      %get3A_46 = vector.shape_cast %get3A_45 : vector<1x1024x128xf32> to vector<1024x128xf32>
      %add3A_47 = arith.addf %add3A_41, %get3A_46 : vector<1024x128xf32>
      %get3A_48 = arith.constant 6 : index
      %get3A_49 = arith.constant 0 : index
      %get3A_50 = arith.constant 0 : index
      %get3A_51 = vector.load %arg1[%get3A_48, %get3A_49, %get3A_50] : memref<20x1024x128xf32, #tpu.memory_space<vmem>>, vector<1x1024x128xf32>
      %get3A_52 = vector.shape_cast %get3A_51 : vector<1x1024x128xf32> to vector<1024x128xf32>
      %add3A_53 = arith.addf %add3A_47, %get3A_52 : vector<1024x128xf32>
      %get3A_54 = arith.constant 7 : index
      %get3A_55 = arith.constant 0 : index
      %get3A_56 = arith.constant 0 : index
      %get3A_57 = vector.load %arg1[%get3A_54, %get3A_55, %get3A_56] : memref<20x1024x128xf32, #tpu.memory_space<vmem>>, vector<1x1024x128xf32>
      %get3A_58 = vector.shape_cast %get3A_57 : vector<1x1024x128xf32> to vector<1024x128xf32>
      %add3A_59 = arith.addf %add3A_53, %get3A_58 : vector<1024x128xf32>
      %get3A_60 = arith.constant 8 : index
      %get3A_61 = arith.constant 0 : index
      %get3A_62 = arith.constant 0 : index
      %get3A_63 = vector.load %arg1[%get3A_60, %get3A_61, %get3A_62] : memref<20x1024x128xf32, #tpu.memory_space<vmem>>, vector<1x1024x128xf32>
      %get3A_64 = vector.shape_cast %get3A_63 : vector<1x1024x128xf32> to vector<1024x128xf32>
      %add3A_65 = arith.addf %add3A_59, %get3A_64 : vector<1024x128xf32>
      %get3A_66 = arith.constant 9 : index
      %get3A_67 = arith.constant 0 : index
      %get3A_68 = arith.constant 0 : index
      %get3A_69 = vector.load %arg1[%get3A_66, %get3A_67, %get3A_68] : memref<20x1024x128xf32, #tpu.memory_space<vmem>>, vector<1x1024x128xf32>
      %get3A_70 = vector.shape_cast %get3A_69 : vector<1x1024x128xf32> to vector<1024x128xf32>
      %add3A_71 = arith.addf %add3A_65, %get3A_70 : vector<1024x128xf32>
      %get3A_72 = arith.constant 10 : index
      %get3A_73 = arith.constant 0 : index
      %get3A_74 = arith.constant 0 : index
      %get3A_75 = vector.load %arg1[%get3A_72, %get3A_73, %get3A_74] : memref<20x1024x128xf32, #tpu.memory_space<vmem>>, vector<1x1024x128xf32>
      %get3A_76 = vector.shape_cast %get3A_75 : vector<1x1024x128xf32> to vector<1024x128xf32>
      %add3A_77 = arith.addf %add3A_71, %get3A_76 : vector<1024x128xf32>
      %get3A_78 = arith.constant 11 : index
      %get3A_79 = arith.constant 0 : index
      %get3A_80 = arith.constant 0 : index
      %get3A_81 = vector.load %arg1[%get3A_78, %get3A_79, %get3A_80] : memref<20x1024x128xf32, #tpu.memory_space<vmem>>, vector<1x1024x128xf32>
      %get3A_82 = vector.shape_cast %get3A_81 : vector<1x1024x128xf32> to vector<1024x128xf32>
      %add3A_83 = arith.addf %add3A_77, %get3A_82 : vector<1024x128xf32>
      %get3A_84 = arith.constant 12 : index
      %get3A_85 = arith.constant 0 : index
      %get3A_86 = arith.constant 0 : index
      %get3A_87 = vector.load %arg1[%get3A_84, %get3A_85, %get3A_86] : memref<20x1024x128xf32, #tpu.memory_space<vmem>>, vector<1x1024x128xf32>
      %get3A_88 = vector.shape_cast %get3A_87 : vector<1x1024x128xf32> to vector<1024x128xf32>
      %add3A_89 = arith.addf %add3A_83, %get3A_88 : vector<1024x128xf32>
      %get3A_90 = arith.constant 13 : index
      %get3A_91 = arith.constant 0 : index
      %get3A_92 = arith.constant 0 : index
      %get3A_93 = vector.load %arg1[%get3A_90, %get3A_91, %get3A_92] : memref<20x1024x128xf32, #tpu.memory_space<vmem>>, vector<1x1024x128xf32>
      %get3A_94 = vector.shape_cast %get3A_93 : vector<1x1024x128xf32> to vector<1024x128xf32>
      %add3A_95 = arith.addf %add3A_89, %get3A_94 : vector<1024x128xf32>
      %get3A_96 = arith.constant 14 : index
      %get3A_97 = arith.constant 0 : index
      %get3A_98 = arith.constant 0 : index
      %get3A_99 = vector.load %arg1[%get3A_96, %get3A_97, %get3A_98] : memref<20x1024x128xf32, #tpu.memory_space<vmem>>, vector<1x1024x128xf32>
      %get3A_100 = vector.shape_cast %get3A_99 : vector<1x1024x128xf32> to vector<1024x128xf32>
      %add3A_101 = arith.addf %add3A_95, %get3A_100 : vector<1024x128xf32>
      %get3A_102 = arith.constant 15 : index
      %get3A_103 = arith.constant 0 : index
      %get3A_104 = arith.constant 0 : index
      %get3A_105 = vector.load %arg1[%get3A_102, %get3A_103, %get3A_104] : memref<20x1024x128xf32, #tpu.memory_space<vmem>>, vector<1x1024x128xf32>
      %get3A_106 = vector.shape_cast %get3A_105 : vector<1x1024x128xf32> to vector<1024x128xf32>
      %add3A_107 = arith.addf %add3A_101, %get3A_106 : vector<1024x128xf32>
      %get3A_108 = arith.constant 16 : index
      %get3A_109 = arith.constant 0 : index
      %get3A_110 = arith.constant 0 : index
      %get3A_111 = vector.load %arg1[%get3A_108, %get3A_109, %get3A_110] : memref<20x1024x128xf32, #tpu.memory_space<vmem>>, vector<1x1024x128xf32>
      %get3A_112 = vector.shape_cast %get3A_111 : vector<1x1024x128xf32> to vector<1024x128xf32>
      %add3A_113 = arith.addf %add3A_107, %get3A_112 : vector<1024x128xf32>
      %get3A_114 = arith.constant 17 : index
      %get3A_115 = arith.constant 0 : index
      %get3A_116 = arith.constant 0 : index
      %get3A_117 = vector.load %arg1[%get3A_114, %get3A_115, %get3A_116] : memref<20x1024x128xf32, #tpu.memory_space<vmem>>, vector<1x1024x128xf32>
      %get3A_118 = vector.shape_cast %get3A_117 : vector<1x1024x128xf32> to vector<1024x128xf32>
      %add3A_119 = arith.addf %add3A_113, %get3A_118 : vector<1024x128xf32>
      %get3A_120 = arith.constant 18 : index
      %get3A_121 = arith.constant 0 : index
      %get3A_122 = arith.constant 0 : index
      %get3A_123 = vector.load %arg1[%get3A_120, %get3A_121, %get3A_122] : memref<20x1024x128xf32, #tpu.memory_space<vmem>>, vector<1x1024x128xf32>
      %get3A_124 = vector.shape_cast %get3A_123 : vector<1x1024x128xf32> to vector<1024x128xf32>
      %add3A_125 = arith.addf %add3A_119, %get3A_124 : vector<1024x128xf32>
      %get3A_126 = arith.constant 19 : index
      %get3A_127 = arith.constant 0 : index
      %get3A_128 = arith.constant 0 : index
      %get3A_129 = vector.load %arg1[%get3A_126, %get3A_127, %get3A_128] : memref<20x1024x128xf32, #tpu.memory_space<vmem>>, vector<1x1024x128xf32>
      %get3A_130 = vector.shape_cast %get3A_129 : vector<1x1024x128xf32> to vector<1024x128xf32>
      %add3A_131 = arith.addf %add3A_125, %get3A_130 : vector<1024x128xf32>
      %get3A_132 = arith.constant 0 : index
      %get3A_133 = arith.constant 0 : index
      %get3A_134 = vector.load %arg2[%get3A_132, %get3A_133] : memref<128x32xf32, #tpu.memory_space<vmem>>, vector<128x32xf32>
      %dot_general3A_135 = arith.constant dense<0.000000e+00> : vector<1024x32xf32>
      %dot_general3A_136 = tpu.matmul %add3A_131, %get3A_134, %dot_general3A_135 {dimension_numbers = #tpu.dot_dimension_numbers<[1], [0], [0], [1], [0, 0, 1, 1], [], []>, precision = #tpu.contract_precision<fp32>, transpose_lhs_hint = false} : vector<1024x128xf32>, vector<128x32xf32>, vector<1024x32xf32> -> vector<1024x32xf32>
      %div3A = arith.constant 2.000000e+01 : f32
      %div3A_137 = vector.broadcast %div3A : f32 to vector<1024x32xf32>
      %div3A_138 = arith.divf %dot_general3A_136, %div3A_137 : vector<1024x32xf32>
      %convert_element_type3A_139 = arith.truncf %div3A_138 : vector<1024x32xf32> to vector<1024x32xbf16>
      %swap3A_140 = arith.constant 0 : index
      %swap3A_141 = arith.constant 0 : index
      %swap3A_142 = vector.load %arg6[%swap3A_140, %swap3A_141] : memref<1024x33xbf16, #tpu.memory_space<vmem>>, vector<1024x32xbf16>
      tpu.vector_store %arg6[%swap3A_140, %swap3A_141], %convert_element_type3A_139 {strides = array<i32>} : memref<1024x33xbf16, #tpu.memory_space<vmem>>, vector<1024x32xbf16>,
      %broadcast_in_dim3A = arith.constant 1.000000e+00 : bf16
      %broadcast_in_dim3A_143 = vector.broadcast %broadcast_in_dim3A : bf16 to vector<1024x1xbf16>
      %swap3A_144 = arith.constant 0 : index
      %swap3A_145 = arith.constant 32 : index
      %swap3A_146 = vector.load %arg6[%swap3A_144, %swap3A_145] : memref<1024x33xbf16, #tpu.memory_space<vmem>>, vector<1024x1xbf16>
      tpu.vector_store %arg6[%swap3A_144, %swap3A_145], %broadcast_in_dim3A_143 {strides = array<i32>} : memref<1024x33xbf16, #tpu.memory_space<vmem>>, vector<1024x1xbf16>,
    } else {
    }
    %get3A = arith.constant 0 : index
    %get3A_2 = arith.constant 0 : index
    %get3A_3 = vector.load %arg3[%get3A, %get3A_2] : memref<32x2048xf32, #tpu.memory_space<vmem>>, vector<32x2048xf32>
    %get3A_4 = arith.constant 0 : index
    %get3A_5 = arith.constant 0 : index
    %get3A_6 = vector.load %arg4[%get3A_4, %get3A_5] : memref<1x2048xf32, #tpu.memory_space<vmem>>, vector<1x2048xf32>
    %concatenate3A = tpu.concatenate %get3A_3, %get3A_6 in 0 : vector<32x2048xf32>, vector<1x2048xf32> -> vector<33x2048xf32>
    %convert_element_type3A_7 = arith.truncf %concatenate3A : vector<33x2048xf32> to vector<33x2048xbf16>
    %get3A_8 = arith.constant 0 : index
    %get3A_9 = arith.constant 0 : index
    %get3A_10 = vector.load %arg6[%get3A_8, %get3A_9] : memref<1024x33xbf16, #tpu.memory_space<vmem>>, vector<1024x33xbf16>
    %dot_general3A = arith.constant dense<0.000000e+00> : vector<2048x1024xf32>
    %dot_general3A_11 = tpu.matmul %convert_element_type3A_7, %get3A_10, %dot_general3A {dimension_numbers = #tpu.dot_dimension_numbers<[0], [1], [1], [0], [0, 1, 1, 0], [], []>, transpose_lhs_hint = false} : vector<33x2048xbf16>, vector<1024x33xbf16>, vector<2048x1024xf32> -> vector<2048x1024xf32>
    %swap3A = arith.constant 0 : index
    %swap3A_12 = arith.constant 0 : index
    %swap3A_13 = vector.load %arg5[%swap3A, %swap3A_12] : memref<2048x1024xf32, #tpu.memory_space<vmem>>, vector<2048x1024xf32>
    tpu.vector_store %arg5[%swap3A, %swap3A_12], %dot_general3A_11 {strides = array<i32>} : memref<2048x1024xf32, #tpu.memory_space<vmem>>, vector<2048x1024xf32>,
    return
  }
  func.func @transform_0(%arg0: i32) -> (i32, i32, i32) {
    %c0_i32 = arith.constant 0 : i32
    %c0_i32_0 = arith.constant 0 : i32
    %c0_i32_1 = arith.constant 0 : i32
    %c0_i32_2 = arith.constant 0 : i32
    return %c0_i32, %c0_i32_0, %c0_i32_1 : i32, i32, i32
  }
  func.func @transform_1(%arg0: i32) -> (i32, i32) {
    %c0_i32 = arith.constant 0 : i32
    %c0_i32_0 = arith.constant 0 : i32
    %c0_i32_1 = arith.constant 0 : i32
    return %c0_i32, %c0_i32_0 : i32, i32
  }
  func.func @transform_2(%arg0: i32) -> (i32, i32) {
    %c0_i32 = arith.constant 0 : i32
    %c0_i32_0 = arith.constant 0 : i32
    return %c0_i32, %arg0 : i32, i32
  }
  func.func @transform_3(%arg0: i32) -> (i32, i32) {
    %c0_i32 = arith.constant 0 : i32
    %c0_i32_0 = arith.constant 0 : i32
    return %c0_i32, %arg0 : i32, i32
  }
  func.func @transform_4(%arg0: i32) -> (i32, i32) {
    %c0_i32 = arith.constant 0 : i32
    %c0_i32_0 = arith.constant 0 : i32
    return %arg0, %c0_i32 : i32, i32
  }
}

</mosaic_0001>

<sc_bundles>
// kernel: kernel.5.cloned.1.call-start
scs
__scs_entry_jumppad:
0x0: {  	(pc) =	sbr.rel $0x88, $3  }
0x1: {  	(tag) =	ssettag $0x0;
	lr =	simm.s32 $0x1  }
0x2: {  	[smem:$0x3F9D] =	sst lr;
	_ =	strace $0xD0000000  }
0x3: {  	_ = 	snop  }
0x4: {  	_ = 	snop  }
0x5: {  	_ = 	snop  }
0x6: {  	_ = 	snop  }
0x7: {  	_ = 	snop  }
__scs_overlays_trampoline_lowered:
0x8: {  	[smem:$0x3FAC] =	sst s0  }
0x9: {  	[smem:$0x3FAD] =	sst s1  }
0xa: {  	[smem:$0x3FAE] =	sst s2  }
0xb: {  	[smem:$0x3FAF] =	sst s3  }
0xc: {  	[smem:$0x3FB0] =	sst s4  }
0xd: {  	[smem:$0x3FB1] =	sst s5  }
0xe: {  	[smem:$0x3FB2] =	sst s6  }
0xf: {  	[smem:$0x3FB3] =	sst s7  }
0x10: {  	[smem:$0x3FB4] =	sst s8  }
0x11: {  	[smem:$0x3FB5] =	sst s9;
	s0 =	simm.s32 @!p0 $0x0  }
0x12: {  	s1 =	sld [smem:$0x3F9B];
	s0 =	simm.s32 @p0 $0x1  }
0x13: {  	[smem:$0x3FB6] =	sst s0;
	s0 =	simm.s32 @!p1 $0x0  }
0x14: {  	s2 =	sld [smem:$0x3F9A];
	s0 =	simm.s32 @p1 $0x1  }
0x15: {  	[smem:$0x3FB7] =	sst s0;
	s0 =	simm.s32 @!p2 $0x0  }
0x16: {  	s3 =	sld [smem:$0x3FDB];
	s0 =	simm.s32 @p2 $0x1  }
0x17: {  	s4 =	simm.s32 $0x1BF5;
	[smem:$0x3FB9] =	sst s0  }
0x18: {  	s0 =	sld [smem:$0x3F9C];
	_ =	swait.ge [sflag:s4], $0x0  }
0x19: {  	s7 =	sld [smem:$0x3F9D]  }
0x1a: {  	s8 =	sadd.s32 $0xFFFFE003, lr  }
0x1b: {  	s9 =	sadd.s32 $0xFFFFFEF7, lr;
	s5 =	simm.s32 $0xFFFFFFFF;
	p2 =	slt.u32 s8, $0xFFFFF086  }
0x1c: {  	p1 =	slt.u32 s9, $0xF7A;
	s5 =	simm.s32 @!p2 $0x0  }
0x1d: {  	s5 =	simm.s32 @p1 $0x1;
	p0 =	seq.s32 s7, s2  }
0x1e: {  	s7 =	smul.u32 @!p0 $0xF7A, s2;
	p2 =	seq.s32 @!p0 s5, $0x0  }
0x1f: {  	s9 =	smul.u32 $0xF7A, s1;
	s8 =	simm.s32 @!p0 $0x1BF5;
	p2 =	por !p2, p0  }
0x20: {  	[sflag:s8] =	ssyncset.s32 @!p0 $0xFFFFF086;
	s6 =	sadd.s32 @!p0 s3, s7;
	s7 =	simm.s32 @!p0 $0x108  }
0x21: {  	s3 =	sadd.s32 s3, s9;
	s6 =	sadd.s32 @!p0 $0x88, s6;
	s7 =	simm.s32 @p2 $0x1082  }
0x22: {  	[simem:s7], [sflag:s8] =	dma.local @!p0 [hbm:s6], $0xF7A  }
0x23: {  	s9 =	sor.u32 $0xD0000000, s2;
	s6 =	simm.s32 $0x108;
	_ =	swait.ge @!p0 [sflag:s8], $0x0  }
0x24: {  	s3 =	sadd.s32 $0x88, s3;
	s6 =	simm.s32 @!p1 $0x1082;
	[sflag:s4] =	ssyncset.s32 $0xFFFFF086  }
0x25: {  	[simem:s6], [sflag:s4] =	dma.local [hbm:s3], $0xF7A  }
0x26: {  	[smem:$0x3F9D] =	sst s1;
	(tag) =	ssettag s2;
	_ =	strace s9  }
0x27: {  	s1 =	sld [smem:$0x3FAD]  }
0x28: {  	s2 =	sld [smem:$0x3FAE]  }
0x29: {  	s4 =	sld [smem:$0x3FB0]  }
0x2a: {  	p0 =	seq.s32 s5, $0x0;
	s5 =	sld [smem:$0x3FB1]  }
0x2b: {  	s6 =	sld [smem:$0x3FB2]  }
0x2c: {  	s7 =	sld [smem:$0x3FB3]  }
0x2d: {  	s3 =	simm.s32 $0x108;
	s8 =	sld [smem:$0x3FB4]  }
0x2e: {  	s3 =	simm.s32 @!p0 $0x1082;
	s9 =	sld [smem:$0x3FB5]  }
0x2f: {  	lr =	sadd.s32 s0, s3;
	s0 =	sld [smem:$0x3FAC]  }
0x30: {  	s3 =	sld [smem:$0x3FAF]  }
0x31: {  	[smem:$0x3FB8] =	sst s10  }
0x32: {  	s10 =	sld [smem:$0x3FB6];
	_ =	sdelay $0x3  }
0x33: {  	p0 =	seq.s32 s10, $0x1;
	s10 =	sld [smem:$0x3FB8];
	_ =	sdelay $0x3  }
0x34: {  	[smem:$0x3FB8] =	sst s10  }
0x35: {  	s10 =	sld [smem:$0x3FB7];
	_ =	sdelay $0x3  }
0x36: {  	p1 =	seq.s32 s10, $0x1;
	s10 =	sld [smem:$0x3FB8];
	_ =	sdelay $0x3  }
0x37: {  	[smem:$0x3FB8] =	sst s10  }
0x38: {  	s10 =	sld [smem:$0x3FB9]  }
0x39: {  	_ = 	snop;
	(pc) =	sbr.ind lr, $3  }
0x3a: {  	_ = 	snop  }
0x3b: {  	_ = 	snop  }
0x3c: {  	p2 =	seq.s32 s10, $0x1;
	s10 =	sld [smem:$0x3FB8]  }
0x3d: {  	_ =	shalt  }
0x3e: {  	_ =	shalt  }
0x3f: {  	_ =	shalt  }
0x40: {  	_ =	shalt  }
0x41: {  	_ =	shalt  }
0x42: {  	_ =	shalt  }
0x43: {  	_ =	shalt  }
0x44: {  	_ =	shalt  }
0x45: {  	_ =	shalt  }
0x46: {  	_ =	shalt  }
0x47: {  	_ =	shalt  }
0x48: {  	_ =	shalt  }
0x49: {  	_ =	shalt  }
0x4a: {  	_ =	shalt  }
0x4b: {  	_ =	shalt  }
0x4c: {  	_ =	shalt  }
0x4d: {  	_ =	shalt  }
0x4e: {  	_ =	shalt  }
0x4f: {  	_ =	shalt  }
0x50: {  	_ =	shalt  }
0x51: {  	_ =	shalt  }
0x52: {  	_ =	shalt  }
0x53: {  	_ =	shalt  }
0x54: {  	_ =	shalt  }
0x55: {  	_ =	shalt  }
0x56: {  	_ =	shalt  }
0x57: {  	_ =	shalt  }
0x58: {  	_ =	shalt  }
0x59: {  	_ =	shalt  }
0x5a: {  	_ =	shalt  }
0x5b: {  	_ =	shalt  }
0x5c: {  	_ =	shalt  }
0x5d: {  	_ =	shalt  }
0x5e: {  	_ =	shalt  }
0x5f: {  	_ =	shalt  }
0x60: {  	_ =	shalt  }
0x61: {  	_ =	shalt  }
0x62: {  	_ =	shalt  }
0x63: {  	_ =	shalt  }
0x64: {  	_ =	shalt  }
0x65: {  	_ =	shalt  }
0x66: {  	_ =	shalt  }
0x67: {  	_ =	shalt  }
0x68: {  	_ =	shalt  }
0x69: {  	_ =	shalt  }
0x6a: {  	_ =	shalt  }
0x6b: {  	_ =	shalt  }
0x6c: {  	_ =	shalt  }
0x6d: {  	_ =	shalt  }
0x6e: {  	_ =	shalt  }
0x6f: {  	_ =	shalt  }
0x70: {  	_ =	shalt  }
0x71: {  	_ =	shalt  }
0x72: {  	_ =	shalt  }
0x73: {  	_ =	shalt  }
0x74: {  	_ =	shalt  }
0x75: {  	_ =	shalt  }
0x76: {  	_ =	shalt  }
0x77: {  	_ =	shalt  }
0x78: {  	_ =	shalt  }
0x79: {  	_ =	shalt  }
0x7a: {  	_ =	shalt  }
0x7b: {  	_ =	shalt  }
0x7c: {  	_ =	shalt  }
0x7d: {  	_ =	shalt  }
0x7e: {  	_ =	shalt  }
0x7f: {  	_ =	shalt  }
0x80: {  	_ =	shalt  }
0x81: {  	_ =	shalt  }
0x82: {  	_ =	shalt  }
0x83: {  	_ =	shalt  }
0x84: {  	_ =	shalt  }
0x85: {  	_ =	shalt  }
0x86: {  	_ =	shalt  }
0x87: {  	_ =	shalt  }
.Lfunc_end0:
.L_simem_size_0:
called_computation_lowered:
.L_overlay_start_0:
0x88: {  	s2 =	sld [smem:$0x3FD9]  }
0x89: {  	s3 =	sld [smem:$0x3FFE];
	_ =	sdelay $0x1  }
0x8a: {  	s1 =	srdreg.scid  }
0x8b: {  	s0 =	sand.u32 $0x1, s1  }
0x8c: {  	s17 =	sshll.u32 s0, $0xA;
	s2 =	sadd.s32 s3, s2  }
0x8d: {  	s2 =	sadd.s32 s2, s17  }
0x8e: {  	[smem:$0x3FC4] =	sst s2  }
0x8f: {  	_ = 	snop  }
0x90: {  	s2 =	sld [smem:$0x3FD0];
	(tm) =	ssettm $0x1  }
0x91: {  	s18 =	sld [smem:$0x3FFB];
	_ =	sdelay $0x3  }
0x92: {  	_ =	strace s18  }
0x93: {  	s3 =	sld [smem:$0x3FFC];
	_ =	sdelay $0x3  }
0x94: {  	_ =	strace s3  }
0x95: {  	s3 =	sld [smem:$0x3FFD];
	_ =	sdelay $0x3  }
0x96: {  	_ =	strace s3  }
0x97: {  	_ =	strace $0x8FFFFFFF  }
0x98: {  	s19 =	sld [smem:$0x3FDB];
	_ =	sdelay $0x1  }
0x99: {  	s4 =	simm.s32 $_scs_section_size  }
0x9a: {  	s5 =	simm.s32 $_size__tile_overlayer_lowered;
	s6 =	simm.s32 $_tile_overlayer_lowered  }
0x9b: {  	s22 =	simm.s32 $0x1BFF;
	s21 =	sshll.u32 s6, $0x1;
	s3 =	sadd.s32 s4, s19  }
0x9c: {  	s7 =	simm.s32 $0x0;
	s20 =	sshll.u32 s5, $0x1;
	s5 =	sadd.s32 s21, s3  }
0x9d: {  	[timem:s7], [sflag:s22] =	dma.local [hbm:s5], s20  }
0x9e: {  	_ =	swait.ge [sflag:s22], s20  }
0x9f: {  	s4 =	ssub.s32 $0x0, s20;
	[sflag:s22] =	ssyncset.done $0x0  }
0xa0: {  	[sflag:s22] =	ssyncadd.s32 s4;
	_ =	sdelay $0x1  }
0xa1: {  	s23 =	simm.s32 $0x1B8B  }
0xa2: {  	_ =	swait.ge [sflag:s23], $0x1  }
0xa3: {  	[sflag:s23] =	ssyncset.done $0x0  }
0xa4: {  	s25 =	simm.s32 $0x1B8E;
	s24 =	sld [smem:$0x3FFE];
	[sflag:s23] =	ssyncadd.s32 $0xFFFFFFFF  }
0xa5: {  	s26 =	simm.s32 $execute0_lowered;
	[smem:$0x3FD2] =	sst s25  }
0xa6: {  	s5 =	sshll.u32 s26, $0x1;
	_ =	strace $0x80000046;
	[dreg:$0x1] =	wrdreg $0xFFFFFFFF  }
0xa7: {  	s28 =	simm.s32 $_size_execute0_lowered;
	s3 =	sadd.s32 s3, s5;
	[dreg:$0x0] =	wrdreg $0x0  }
0xa8: {  	s5 =	sshll.u32 s28, $0x1;
	[dreg:$0x2] =	wrdreg s3  }
0xa9: {  	[dreg:$0x3] =	wrdreg s5  }
0xaa: {  	[dreg:$0x4] =	wrdreg $0xC0  }
0xab: {  	_ =	task [dreg:s7], $0x5FFFF  }
0xac: {  	[dreg:$0x1] =	wrdreg $0xFFFFFFFF  }
0xad: {  	[dreg:$0x0] =	wrdreg $0x60  }
0xae: {  	[dreg:$0x2] =	wrdreg s2  }
0xaf: {  	[dreg:$0x3] =	wrdreg s24  }
0xb0: {  	[dreg:$0x4] =	wrdreg $0x9  }
0xb1: {  	_ =	task.clear_ibuf [dreg:s7], $0x5FFFF;
	_ =	strace $0x90000046  }
0xb2: {  	s29 =	simm.s32 $0x9;
	_ =	strace $0x80000048  }
0xb3: {  	_ =	swait.ge [sflag:s29], $0x1  }
0xb4: {  	[sflag:s29] =	ssyncadd.s32 $0xFFFFFFFF  }
0xb5: {  	_ =	strace $0x90000048  }
0xb6: {  	_ =	sfence  }
0xb7: {  	s30 =	sld [smem:$0x0];
	_ =	sdelay $0x2  }
0xb8: {  	s31 =	sshll.u32 s1, $0xD;
	s1 =	sshrl.u32 s1, $0x2  }
0xb9: {  	s3 =	sand.u32 $0x4000, s31;
	s1 =	sadd.s32 s1, s30  }
0xba: {  	s0 =	sor.u32 s3, s0;
	s1 =	sshll.u32 s1, $0x11  }
0xbb: {  	s0 =	sor.u32 s1, s0  }
0xbc: {  	s0 =	sadd.s32 $0x8F2B, s0  }
0xbd: {  	[sflag:s0] =	ssyncadd.remote.s32 $0x1  }
0xbe: {  	_ =	sfence.sel $0xFFFF  }
0xbf: {  	[dreg:$0x0] =	wrdreg $0xFFFFFFFF;
	(pc) =	sbr.abs _section_cstart, $3  }
0xc0: {  	[dreg:$0x1] =	wrdreg $0xFFFFFFFF  }
0xc1: {  	_ =	task.clear_ibuf [dreg:s7], $0x2FFFF;
	_ =	strace $0x9FFFFFFF  }
0xc2: {  	(tm) =	ssettm $0x7FFFFFFF  }
0xc3: {  	_ =	shalt  }
tec
execute0_lowered:
.L_overlay_start_1:
0x0: {  	(tag) =	ssettag $0x1  }
0x1: {  	s1 =	srdreg.scid;
	s0 =	stileid.u32  }
0x2: {  	s2 =	rddreg [dreg:$0x0];
	s6 =	sand.u32 $0x1, s1;
	s30 =	sshll.u32 s0, $0x1  }
0x3: {  	s8 =	rddreg [dreg:$0x1];
	s7 =	sor.u32 s6, s30  }
0x4: {  	s3 =	simm.s32 $0x0;
	s1 =	rddreg [dreg:$0x2];
	s4 =	smul.u32 $0x50, s7  }
0x5: {  	[smem:$0x7FF] =	sst s3  }
0x6: {  	_ =	strace $0x80000047;
	s10 =	ssub.s32 $0x2, s6;
	s4 =	sadd.s32 s4, s8  }
0x7: {  	s6 =	simm.s32 $0x280;
	s5 =	sadd.s32 $0xE00, s4;
	s4 =	simm.s32 $0x2  }
0x8: {  	[tilespmem:s3], [sflag:$0x2] =	stream.linear.gather [hbm4b:s5+s3], $0x280, $0x38;
	[tilespmem:$0x14280] =	vst v63  }
0x9: {  	s9 =	smul.u32 $0x2800, s7;
	s11 =	sshrl.u32 s10, $0x1;
	_ =	swait.ge [sflag:s4], $0x280  }
0xa: {  	s7 =	simm.s32 $0x1;
	s31 =	ssub.s32 s10, s11;
	[sflag:s4] =	ssyncset.done $0x0  }
0xb: {  	s8 =	sadd.s32 s9, s8;
	s9 =	smax.u32 s31, $0x1;
	[sflag:s4] =	ssyncadd.s32 $0xFFFFFD80  }
0xc: {  	[tilespmem:s6], [sflag:$0x1] =	stream.indirect.gather [hbm4b:s2+s6], $0x80, s3, s6, $0xb8;
	[tilespmem:$0x14280] =	vst v63  }
0xd: {  	p0 =	sne.s32 s9, $0x1;
	_ =	swait.ge [sflag:s7], $0x14000  }
.Ltmp0:
0xe: {  	[sflag:s7] =	ssyncset.done $0x0;
	(pc) =	sbr.rel @!p0 .LBB2_2-.Ltmp0, $4  }
0xf: {  	s8 =	sadd.s32 $0x1800, s8;
	[sflag:s7] =	ssyncadd.s32 $0xFFFEC000  }
0x10: {  	[hbm4b:s8+s3] =	stream.linear.scatter [tilespmem:s6], [sflag:$0x2], $0x14000, $0x38;
	[tilespmem:$0x14280] =	vst v63  }
0x11: {  	_ =	swait.ge [sflag:s4], $0x14000  }
0x12: {  	s9 =	sadd.s32 $0xFFFFFFFF, s9;
	[sflag:s4] =	ssyncset.done $0x0  }
.LBB2_1:
0x13: {  	p0 =	sne.s32 s9, $0x1;
	s9 =	sadd.s32 $0xFFFFFFFF, s9;
	[sflag:s4] =	ssyncadd.s32 $0xFFFEC000  }
0x14: {  	[tilespmem:s3], [sflag:$0x2] =	stream.linear.gather [hbm4b:s5+s3], $0x280, $0x38;
	[tilespmem:$0x14280] =	vst v63  }
0x15: {  	_ =	swait.ge [sflag:s4], $0x280  }
0x16: {  	[sflag:s4] =	ssyncset.done $0x0  }
0x17: {  	[sflag:s4] =	ssyncadd.s32 $0xFFFFFD80  }
0x18: {  	[tilespmem:s6], [sflag:$0x1] =	stream.indirect.gather [hbm4b:s2+s6], $0x80, s3, s6, $0xb8;
	[tilespmem:$0x14280] =	vst v63  }
0x19: {  	_ =	swait.ge [sflag:s7], $0x14000  }
.Ltmp1:
0x1a: {  	[sflag:s7] =	ssyncset.done $0x0;
	(pc) =	sbr.rel @p0 .LBB2_1-.Ltmp1, $4  }
0x1b: {  	[sflag:s7] =	ssyncadd.s32 $0xFFFEC000  }
0x1c: {  	[hbm4b:s8+s3] =	stream.linear.scatter [tilespmem:s6], [sflag:$0x2], $0x14000, $0x38;
	[tilespmem:$0x14280] =	vst v63  }
0x1d: {  	_ =	swait.ge [sflag:s4], $0x14000  }
0x1e: {  	[sflag:s4] =	ssyncset.done $0x0  }
.LBB2_2:
0x1f: {  	[sflag:s4] =	ssyncadd.s32 $0xFFFEC000  }
0x20: {  	_ =	sfence.sel $0x180000  }
0x21: {  	[bflag:$0x0] =	sbarrier.arrive $0xFFFF  }
0x22: {  	p0 =	sne.s32 s0, $0x0;
	_ =	strace $0x90000047  }
0x23: {  	s0 =	sadd.s32 @!p0 $0x100000, s1;
	[bflag:$0x2] =	sbarrier.arrive $0xFFFF  }
0x24: {  	[sflag:s0] =	ssyncadd.tile.s32 @!p0 $0x1;
	_ =	shalt  }
.Lfunc_end2:
_tile_overlayer_lowered:
.L_overlay_start_2:
0x25: {  	(tag) =	ssettag $0x2  }
0x26: {  	s0 =	rddreg [dreg:$0x0];
	s2 =	stileid.u32  }
0x27: {  	s1 =	rddreg [dreg:$0x1];
	p0 =	sne.s32 s2, $0x0  }
0x28: {  	s3 =	rddreg [dreg:$0x2];
	[bflag:$0x3] =	sbarrier.arrive $0xFFFF;
	s2 =	simm.s32 @!p0 $0x1C02  }
0x29: {  	[timem:s3], [sflag:s2] =	dma.local @!p0 [hbm:s0], s1  }
0x2a: {  	s0 =	simm.s32 @!p0 $0x2  }
0x2b: {  	_ =	swait.ge @!p0 [sflag:s0], s1  }
0x2c: {  	s1 =	ssub.s32 @!p0 $0x0, s1;
	[sflag:s0] =	ssyncset.done @!p0 $0x0  }
0x2d: {  	[sflag:s0] =	ssyncadd.s32 @!p0 s1  }
0x2e: {  	[bflag:$0x3] =	sbarrier.arrive $0xFFFF  }
0x2f: {  	_ =	shalt  }

</sc_bundles>
